<compile_context>
chip_gen: v7x
topology: tpu7x:2x2x1
jax: 0.10.2.dev20260603
libtpu: 0.0.44.dev20260713+nightly
codegen_flags: <defaults>
</compile_context>

<pallas_src>
import functools

import jax
import jax.numpy as jnp
from jax import lax
from jax.experimental import pallas as pl
from jax.experimental.pallas import tpu as pltpu
from jax.experimental.pallas import tpu_sc as plsc

_NC = 2
_NS = 16
_NW = _NC * _NS

_CH = 200
_NBUF = 4
_DG = 2
_DS = 2


def _emb_lookup(idx, table):
    (N,) = idx.shape
    V, D = table.shape
    b_per_w = N // _NW
    n_chunks = b_per_w // _CH
    mesh = plsc.VectorSubcoreMesh(core_axis_name="c", subcore_axis_name="s")

    @functools.partial(
        pl.kernel,
        mesh=mesh,
        out_type=jax.ShapeDtypeStruct((N, D), jnp.float32),
        scratch_types=[
            pltpu.VMEM((b_per_w,), jnp.int32),
            pltpu.VMEM((_NBUF, _CH, D), jnp.float32),
            pltpu.SemaphoreType.DMA,
            pltpu.SemaphoreType.DMA,
        ],
    )
    def body(idx_hbm, table_hbm, out_hbm, idx_v, rows_v, sem_g, sem_s):
        wid = lax.axis_index("s") * _NC + lax.axis_index("c")
        base = wid * b_per_w
        pltpu.sync_copy(idx_hbm.at[pl.ds(base, b_per_w)], idx_v)

        def gather(c, buf):
            off = pl.multiple_of(c * _CH, _CH)
            pltpu.async_copy(
                table_hbm.at[idx_v.at[pl.ds(off, _CH)]], rows_v.at[buf], sem_g
            )

        def drain_one(sem):
            pltpu.make_async_copy(
                table_hbm.at[pl.ds(0, _CH)], rows_v.at[0], sem
            ).wait()

        for g in range(_DG):
            gather(g, g % _NBUF)

        def step(c, carry):
            @pl.when(c >= _DS)
            def _():
                drain_one(sem_s)

            @pl.when(c + _DG < n_chunks)
            def _():
                gather(c + _DG, lax.rem(c + _DG, _NBUF))

            drain_one(sem_g)
            buf = lax.rem(c, _NBUF)
            off = pl.multiple_of(c * _CH, _CH)
            pltpu.async_copy(
                rows_v.at[buf], out_hbm.at[pl.ds(base + off, _CH)], sem_s
            )
            return carry

        lax.fori_loop(0, n_chunks, step, 0)
        for _ in range(_DS):
            drain_one(sem_s)

    return body(idx, table)


def kernel(x, table):
    B, S = x.shape
    _, D = table.shape
    idx = x.reshape(B * S).astype(jnp.int32)
    out = _emb_lookup(idx, table)
    return out.reshape(B, S, D)

# --- scband reference (transcript-rebuilt; emitter-appended) ---
"""Pipeline reference for scband-input-embedding-12197707121055 (READ-ONLY COPY).

The authoritative reference and input builder live on the scoring server;
editing this copy changes nothing except your own understanding.
"""

import jax, jax.numpy as jnp
import numpy as np

VOCAB = 100000
EMBED_DIM = 128
BATCH = 4096
SEQ = 200

def setup_inputs(seed: int = 0) -> dict:
    key = jax.random.key(seed)
    k_idx, k_tab = jax.random.split(key)
    x = jax.random.randint(k_idx, (BATCH, SEQ), 0, VOCAB, dtype=jnp.int64)
    # nn.Embedding default init: N(0, 1)
    table = jax.random.normal(k_tab, (VOCAB, EMBED_DIM), dtype=jnp.float32)
    return {"x": x, "table": table}

def reference(x, table):
    # InputEmbedding.forward: self.embedding(x) -> gather rows of the table
    return jnp.take(table, x, axis=0)

if __name__ == "__main__":
    import jax
    _d = setup_inputs()
    print(jax.jit(kernel)(*tuple(_d.values())))

</pallas_src>

<mosaic_0001>
#map = affine_map<(d0, d1) -> (0)>
#map1 = affine_map<(d0, d1) -> (0, 0)>
module attributes {stable_mosaic.version = 14 : i64} {
  func.func @body(%arg0: i32, %arg1: i32, %arg2: memref<819200xi32, #tpu.memory_space<hbm>>, %arg3: memref<100000x128xf32, #tpu.memory_space<hbm>>, %arg4: memref<819200x128xf32, #tpu.memory_space<hbm>>, %arg5: memref<25600xi32, #tpu.memory_space<vmem>>, %arg6: memref<4x200x128xf32, #tpu.memory_space<vmem>>, %arg7: memref<!tpu.dma_semaphore, #tpu.memory_space<semaphore_mem>>, %arg8: memref<!tpu.dma_semaphore, #tpu.memory_space<semaphore_mem>>) attributes {dimension_semantics = [#tpu.dimension_semantics<core_parallel>, #tpu.dimension_semantics<subcore_parallel>], iteration_bounds = array<i64: 2, 16>, scalar_prefetch = 0 : i64, scratch_operands = 4 : i64, tpu.core_type = #tpu.core_type<sc_vector_subcore>, window_params = [{transform_indices = #map}, {transform_indices = #map1}, {transform_indices = #map1}]} {
    %mul3A = arith.constant 2 : i32
    %mul3A_0 = arith.muli %arg1, %mul3A : i32
    %add3A = arith.addi %mul3A_0, %arg0 : i32
    %mul3A_1 = arith.constant 25600 : i32
    %mul3A_2 = arith.muli %add3A, %mul3A_1 : i32
    "tpu.region"() ({
      %run_scoped3A = tpu.sem_alloc : memref<!tpu.dma_semaphore, #tpu.memory_space<semaphore_mem>>
      %dma_start3A_57 = tpu.memref_slice %arg2[%mul3A_2] : memref<819200xi32, #tpu.memory_space<hbm>> -> memref<25600xi32, #tpu.memory_space<hbm>>
      %dma_start3A_58 = tpu.memref_slice %arg2[%mul3A_2] : memref<819200xi32, #tpu.memory_space<hbm>> -> memref<25600xi32, #tpu.memory_space<hbm>>
      tpu.enqueue_dma source(%dma_start3A_58 : memref<25600xi32, #tpu.memory_space<hbm>>) target(%arg5 : memref<25600xi32, #tpu.memory_space<vmem>>) target_semaphore(%run_scoped3A : memref<!tpu.dma_semaphore, #tpu.memory_space<semaphore_mem>>)
      %dma_wait3A_59 = tpu.memref_slice %arg2[%mul3A_2] : memref<819200xi32, #tpu.memory_space<hbm>> -> memref<25600xi32, #tpu.memory_space<hbm>>
      %dma_wait3A_60 = tpu.memref_slice %arg2[%mul3A_2] : memref<819200xi32, #tpu.memory_space<hbm>> -> memref<25600xi32, #tpu.memory_space<hbm>>
      tpu.wait_dma2 semaphore(%run_scoped3A : memref<!tpu.dma_semaphore, #tpu.memory_space<semaphore_mem>>) src(%dma_wait3A_60 : memref<25600xi32, #tpu.memory_space<hbm>>) dst(%arg5 : memref<25600xi32, #tpu.memory_space<vmem>>)
      tpu.yield
    }) : () -> ()
    %multiple_of3A = arith.constant 0 : i32
    %multiple_of3A_3 = tpu.assume_multiple %multiple_of3A, 200 : i32
    %dma_start3A = arith.constant 0 : i32
    %dma_start3A_4 = arith.constant 0 : i32
    %dma_start3A_5 = arith.constant 0 : i32
    %dma_start3A_6 = tpu.memref_slice %arg6[%dma_start3A, %dma_start3A_4, %dma_start3A_5] : memref<4x200x128xf32, #tpu.memory_space<vmem>> -> memref<1x200x128xf32, #tpu.memory_space<vmem>>
    %dma_start3A_7 = tpu.memref_squeeze %dma_start3A_6 : memref<1x200x128xf32, #tpu.memory_space<vmem>> -> memref<200x128xf32, #tpu.memory_space<vmem>>
    %dma_start3A_8 = tpu.memref_slice %arg5[%multiple_of3A_3] : memref<25600xi32, #tpu.memory_space<vmem>> -> memref<200xi32, #tpu.memory_space<vmem>>
    %dma_start3A_9 = arith.constant 0 : i32
    %dma_start3A_10 = arith.constant 0 : i32
    %dma_start3A_11 = tpu.memref_slice %arg3[%dma_start3A_9, %dma_start3A_10] : memref<100000x128xf32, #tpu.memory_space<hbm>> -> memref<100000x128xf32, #tpu.memory_space<hbm>>
    tpu.enqueue_indirect_dma source(%dma_start3A_11 : memref<100000x128xf32, #tpu.memory_space<hbm>>) target(%dma_start3A_7 : memref<200x128xf32, #tpu.memory_space<vmem>>) offsets(%dma_start3A_8 : memref<200xi32, #tpu.memory_space<vmem>>) semaphore(%arg7 : memref<!tpu.dma_semaphore, #tpu.memory_space<semaphore_mem>>)
    %multiple_of3A_12 = arith.constant 200 : i32
    %multiple_of3A_13 = tpu.assume_multiple %multiple_of3A_12, 200 : i32
    %dma_start3A_14 = arith.constant 1 : i32
    %dma_start3A_15 = arith.constant 0 : i32
    %dma_start3A_16 = arith.constant 0 : i32
    %dma_start3A_17 = tpu.memref_slice %arg6[%dma_start3A_14, %dma_start3A_15, %dma_start3A_16] : memref<4x200x128xf32, #tpu.memory_space<vmem>> -> memref<1x200x128xf32, #tpu.memory_space<vmem>>
    %dma_start3A_18 = tpu.memref_squeeze %dma_start3A_17 : memref<1x200x128xf32, #tpu.memory_space<vmem>> -> memref<200x128xf32, #tpu.memory_space<vmem>>
    %dma_start3A_19 = tpu.memref_slice %arg5[%multiple_of3A_13] : memref<25600xi32, #tpu.memory_space<vmem>> -> memref<200xi32, #tpu.memory_space<vmem>>
    %dma_start3A_20 = arith.constant 0 : i32
    %dma_start3A_21 = arith.constant 0 : i32
    %dma_start3A_22 = tpu.memref_slice %arg3[%dma_start3A_20, %dma_start3A_21] : memref<100000x128xf32, #tpu.memory_space<hbm>> -> memref<100000x128xf32, #tpu.memory_space<hbm>>
    tpu.enqueue_indirect_dma source(%dma_start3A_22 : memref<100000x128xf32, #tpu.memory_space<hbm>>) target(%dma_start3A_18 : memref<200x128xf32, #tpu.memory_space<vmem>>) offsets(%dma_start3A_19 : memref<200xi32, #tpu.memory_space<vmem>>) semaphore(%arg7 : memref<!tpu.dma_semaphore, #tpu.memory_space<semaphore_mem>>)
    %scan3A = arith.constant 0 : i32
    %scan3A_23 = arith.constant 0 : i32
    %scan3A_24 = arith.constant 128 : i32
    %scan3A_25 = arith.addi %scan3A_23, %scan3A_24 : i32
    %scan3A_26 = arith.constant 1 : i32
    scf.for %scan3A_57 = %scan3A_23 to %scan3A_25 step %scan3A_26  : i32 {
      %ge3A = arith.constant 2 : i32
      %ge3A_58 = arith.cmpi sge, %scan3A_57, %ge3A : i32
      %convert_element_type3A = arith.extui %ge3A_58 : i1 to i32
      %cond3A = arith.constant 0 : i32
      %cond3A_59 = arith.cmpi ne, %convert_element_type3A, %cond3A : i32
      scf.if %cond3A_59 {
        %dma_wait3A_98 = arith.constant 0 : i32
        %dma_wait3A_99 = arith.constant 0 : i32
        %dma_wait3A_100 = arith.constant 0 : i32
        %dma_wait3A_101 = tpu.memref_slice %arg6[%dma_wait3A_98, %dma_wait3A_99, %dma_wait3A_100] : memref<4x200x128xf32, #tpu.memory_space<vmem>> -> memref<1x200x128xf32, #tpu.memory_space<vmem>>
        %dma_wait3A_102 = tpu.memref_squeeze %dma_wait3A_101 : memref<1x200x128xf32, #tpu.memory_space<vmem>> -> memref<200x128xf32, #tpu.memory_space<vmem>>
        %dma_wait3A_103 = arith.constant 0 : i32
        %dma_wait3A_104 = arith.constant 0 : i32
        %dma_wait3A_105 = tpu.memref_slice %arg3[%dma_wait3A_103, %dma_wait3A_104] : memref<100000x128xf32, #tpu.memory_space<hbm>> -> memref<200x128xf32, #tpu.memory_space<hbm>>
        %dma_wait3A_106 = arith.constant 0 : i32
        %dma_wait3A_107 = arith.constant 0 : i32
        %dma_wait3A_108 = tpu.memref_slice %arg6[%dma_wait3A_98, %dma_wait3A_106, %dma_wait3A_107] : memref<4x200x128xf32, #tpu.memory_space<vmem>> -> memref<1x200x128xf32, #tpu.memory_space<vmem>>
        %dma_wait3A_109 = tpu.memref_squeeze %dma_wait3A_108 : memref<1x200x128xf32, #tpu.memory_space<vmem>> -> memref<200x128xf32, #tpu.memory_space<vmem>>
        %dma_wait3A_110 = arith.constant 0 : i32
        %dma_wait3A_111 = arith.constant 0 : i32
        %dma_wait3A_112 = tpu.memref_slice %arg3[%dma_wait3A_110, %dma_wait3A_111] : memref<100000x128xf32, #tpu.memory_space<hbm>> -> memref<200x128xf32, #tpu.memory_space<hbm>>
        tpu.wait_dma2 semaphore(%arg8 : memref<!tpu.dma_semaphore, #tpu.memory_space<semaphore_mem>>) src(%dma_wait3A_112 : memref<200x128xf32, #tpu.memory_space<hbm>>) dst(%dma_wait3A_109 : memref<200x128xf32, #tpu.memory_space<vmem>>)
      } else {
      }
      %add3A_60 = arith.constant 2 : i32
      %add3A_61 = arith.addi %scan3A_57, %add3A_60 : i32
      %lt3A = arith.constant 128 : i32
      %lt3A_62 = arith.cmpi slt, %add3A_61, %lt3A : i32
      %convert_element_type3A_63 = arith.extui %lt3A_62 : i1 to i32
      %cond3A_64 = arith.constant 0 : i32
      %cond3A_65 = arith.cmpi ne, %convert_element_type3A_63, %cond3A_64 : i32
      scf.if %cond3A_65 {
        %add3A_98 = arith.constant 2 : i32
        %add3A_99 = arith.addi %scan3A_57, %add3A_98 : i32
        %add3A_100 = arith.constant 2 : i32
        %add3A_101 = arith.addi %scan3A_57, %add3A_100 : i32
        %rem3A_102 = arith.constant 4 : i32
        %rem3A_103 = arith.remsi %add3A_101, %rem3A_102 : i32
        %mul3A_104 = arith.constant 200 : i32
        %mul3A_105 = arith.muli %add3A_99, %mul3A_104 : i32
        %multiple_of3A_106 = tpu.assume_multiple %mul3A_105, 200 : i32
        %dma_start3A_107 = arith.constant 0 : i32
        %dma_start3A_108 = arith.constant 0 : i32
        %dma_start3A_109 = tpu.memref_slice %arg6[%rem3A_103, %dma_start3A_107, %dma_start3A_108] : memref<4x200x128xf32, #tpu.memory_space<vmem>> -> memref<1x200x128xf32, #tpu.memory_space<vmem>>
        %dma_start3A_110 = tpu.memref_squeeze %dma_start3A_109 : memref<1x200x128xf32, #tpu.memory_space<vmem>> -> memref<200x128xf32, #tpu.memory_space<vmem>>
        %dma_start3A_111 = tpu.memref_slice %arg5[%multiple_of3A_106] : memref<25600xi32, #tpu.memory_space<vmem>> -> memref<200xi32, #tpu.memory_space<vmem>>
        %dma_start3A_112 = arith.constant 0 : i32
        %dma_start3A_113 = arith.constant 0 : i32
        %dma_start3A_114 = tpu.memref_slice %arg3[%dma_start3A_112, %dma_start3A_113] : memref<100000x128xf32, #tpu.memory_space<hbm>> -> memref<100000x128xf32, #tpu.memory_space<hbm>>
        tpu.enqueue_indirect_dma source(%dma_start3A_114 : memref<100000x128xf32, #tpu.memory_space<hbm>>) target(%dma_start3A_110 : memref<200x128xf32, #tpu.memory_space<vmem>>) offsets(%dma_start3A_111 : memref<200xi32, #tpu.memory_space<vmem>>) semaphore(%arg7 : memref<!tpu.dma_semaphore, #tpu.memory_space<semaphore_mem>>)
      } else {
      }
      %dma_wait3A_66 = arith.constant 0 : i32
      %dma_wait3A_67 = arith.constant 0 : i32
      %dma_wait3A_68 = arith.constant 0 : i32
      %dma_wait3A_69 = tpu.memref_slice %arg6[%dma_wait3A_66, %dma_wait3A_67, %dma_wait3A_68] : memref<4x200x128xf32, #tpu.memory_space<vmem>> -> memref<1x200x128xf32, #tpu.memory_space<vmem>>
      %dma_wait3A_70 = tpu.memref_squeeze %dma_wait3A_69 : memref<1x200x128xf32, #tpu.memory_space<vmem>> -> memref<200x128xf32, #tpu.memory_space<vmem>>
      %dma_wait3A_71 = arith.constant 0 : i32
      %dma_wait3A_72 = arith.constant 0 : i32
      %dma_wait3A_73 = tpu.memref_slice %arg3[%dma_wait3A_71, %dma_wait3A_72] : memref<100000x128xf32, #tpu.memory_space<hbm>> -> memref<200x128xf32, #tpu.memory_space<hbm>>
      %dma_wait3A_74 = arith.constant 0 : i32
      %dma_wait3A_75 = arith.constant 0 : i32
      %dma_wait3A_76 = tpu.memref_slice %arg6[%dma_wait3A_66, %dma_wait3A_74, %dma_wait3A_75] : memref<4x200x128xf32, #tpu.memory_space<vmem>> -> memref<1x200x128xf32, #tpu.memory_space<vmem>>
      %dma_wait3A_77 = tpu.memref_squeeze %dma_wait3A_76 : memref<1x200x128xf32, #tpu.memory_space<vmem>> -> memref<200x128xf32, #tpu.memory_space<vmem>>
      %dma_wait3A_78 = arith.constant 0 : i32
      %dma_wait3A_79 = arith.constant 0 : i32
      %dma_wait3A_80 = tpu.memref_slice %arg3[%dma_wait3A_78, %dma_wait3A_79] : memref<100000x128xf32, #tpu.memory_space<hbm>> -> memref<200x128xf32, #tpu.memory_space<hbm>>
      tpu.wait_dma2 semaphore(%arg7 : memref<!tpu.dma_semaphore, #tpu.memory_space<semaphore_mem>>) src(%dma_wait3A_80 : memref<200x128xf32, #tpu.memory_space<hbm>>) dst(%dma_wait3A_77 : memref<200x128xf32, #tpu.memory_space<vmem>>)
      %rem3A = arith.constant 4 : i32
      %rem3A_81 = arith.remsi %scan3A_57, %rem3A : i32
      %mul3A_82 = arith.constant 200 : i32
      %mul3A_83 = arith.muli %scan3A_57, %mul3A_82 : i32
      %multiple_of3A_84 = tpu.assume_multiple %mul3A_83, 200 : i32
      %add3A_85 = arith.addi %mul3A_2, %multiple_of3A_84 : i32
      %dma_start3A_86 = arith.constant 0 : i32
      %dma_start3A_87 = arith.constant 0 : i32
      %dma_start3A_88 = tpu.memref_slice %arg6[%rem3A_81, %dma_start3A_86, %dma_start3A_87] : memref<4x200x128xf32, #tpu.memory_space<vmem>> -> memref<1x200x128xf32, #tpu.memory_space<vmem>>
      %dma_start3A_89 = tpu.memref_squeeze %dma_start3A_88 : memref<1x200x128xf32, #tpu.memory_space<vmem>> -> memref<200x128xf32, #tpu.memory_space<vmem>>
      %dma_start3A_90 = arith.constant 0 : i32
      %dma_start3A_91 = tpu.memref_slice %arg4[%add3A_85, %dma_start3A_90] : memref<819200x128xf32, #tpu.memory_space<hbm>> -> memref<200x128xf32, #tpu.memory_space<hbm>>
      %dma_start3A_92 = arith.constant 0 : i32
      %dma_start3A_93 = tpu.memref_slice %arg4[%add3A_85, %dma_start3A_92] : memref<819200x128xf32, #tpu.memory_space<hbm>> -> memref<200x128xf32, #tpu.memory_space<hbm>>
      %dma_start3A_94 = arith.constant 0 : i32
      %dma_start3A_95 = arith.constant 0 : i32
      %dma_start3A_96 = tpu.memref_slice %arg6[%rem3A_81, %dma_start3A_94, %dma_start3A_95] : memref<4x200x128xf32, #tpu.memory_space<vmem>> -> memref<1x200x128xf32, #tpu.memory_space<vmem>>
      %dma_start3A_97 = tpu.memref_squeeze %dma_start3A_96 : memref<1x200x128xf32, #tpu.memory_space<vmem>> -> memref<200x128xf32, #tpu.memory_space<vmem>>
      tpu.enqueue_dma source(%dma_start3A_97 : memref<200x128xf32, #tpu.memory_space<vmem>>) target(%dma_start3A_93 : memref<200x128xf32, #tpu.memory_space<hbm>>) target_semaphore(%arg8 : memref<!tpu.dma_semaphore, #tpu.memory_space<semaphore_mem>>)
    }
    %scan3A_27 = arith.constant 128 : i32
    %dma_wait3A = arith.constant 0 : i32
    %dma_wait3A_28 = arith.constant 0 : i32
    %dma_wait3A_29 = arith.constant 0 : i32
    %dma_wait3A_30 = tpu.memref_slice %arg6[%dma_wait3A, %dma_wait3A_28, %dma_wait3A_29] : memref<4x200x128xf32, #tpu.memory_space<vmem>> -> memref<1x200x128xf32, #tpu.memory_space<vmem>>
    %dma_wait3A_31 = tpu.memref_squeeze %dma_wait3A_30 : memref<1x200x128xf32, #tpu.memory_space<vmem>> -> memref<200x128xf32, #tpu.memory_space<vmem>>
    %dma_wait3A_32 = arith.constant 0 : i32
    %dma_wait3A_33 = arith.constant 0 : i32
    %dma_wait3A_34 = tpu.memref_slice %arg3[%dma_wait3A_32, %dma_wait3A_33] : memref<100000x128xf32, #tpu.memory_space<hbm>> -> memref<200x128xf32, #tpu.memory_space<hbm>>
    %dma_wait3A_35 = arith.constant 0 : i32
    %dma_wait3A_36 = arith.constant 0 : i32
    %dma_wait3A_37 = tpu.memref_slice %arg6[%dma_wait3A, %dma_wait3A_35, %dma_wait3A_36] : memref<4x200x128xf32, #tpu.memory_space<vmem>> -> memref<1x200x128xf32, #tpu.memory_space<vmem>>
    %dma_wait3A_38 = tpu.memref_squeeze %dma_wait3A_37 : memref<1x200x128xf32, #tpu.memory_space<vmem>> -> memref<200x128xf32, #tpu.memory_space<vmem>>
    %dma_wait3A_39 = arith.constant 0 : i32
    %dma_wait3A_40 = arith.constant 0 : i32
    %dma_wait3A_41 = tpu.memref_slice %arg3[%dma_wait3A_39, %dma_wait3A_40] : memref<100000x128xf32, #tpu.memory_space<hbm>> -> memref<200x128xf32, #tpu.memory_space<hbm>>
    tpu.wait_dma2 semaphore(%arg8 : memref<!tpu.dma_semaphore, #tpu.memory_space<semaphore_mem>>) src(%dma_wait3A_41 : memref<200x128xf32, #tpu.memory_space<hbm>>) dst(%dma_wait3A_38 : memref<200x128xf32, #tpu.memory_space<vmem>>)
    %dma_wait3A_42 = arith.constant 0 : i32
    %dma_wait3A_43 = arith.constant 0 : i32
    %dma_wait3A_44 = arith.constant 0 : i32
    %dma_wait3A_45 = tpu.memref_slice %arg6[%dma_wait3A_42, %dma_wait3A_43, %dma_wait3A_44] : memref<4x200x128xf32, #tpu.memory_space<vmem>> -> memref<1x200x128xf32, #tpu.memory_space<vmem>>
    %dma_wait3A_46 = tpu.memref_squeeze %dma_wait3A_45 : memref<1x200x128xf32, #tpu.memory_space<vmem>> -> memref<200x128xf32, #tpu.memory_space<vmem>>
    %dma_wait3A_47 = arith.constant 0 : i32
    %dma_wait3A_48 = arith.constant 0 : i32
    %dma_wait3A_49 = tpu.memref_slice %arg3[%dma_wait3A_47, %dma_wait3A_48] : memref<100000x128xf32, #tpu.memory_space<hbm>> -> memref<200x128xf32, #tpu.memory_space<hbm>>
    %dma_wait3A_50 = arith.constant 0 : i32
    %dma_wait3A_51 = arith.constant 0 : i32
    %dma_wait3A_52 = tpu.memref_slice %arg6[%dma_wait3A_42, %dma_wait3A_50, %dma_wait3A_51] : memref<4x200x128xf32, #tpu.memory_space<vmem>> -> memref<1x200x128xf32, #tpu.memory_space<vmem>>
    %dma_wait3A_53 = tpu.memref_squeeze %dma_wait3A_52 : memref<1x200x128xf32, #tpu.memory_space<vmem>> -> memref<200x128xf32, #tpu.memory_space<vmem>>
    %dma_wait3A_54 = arith.constant 0 : i32
    %dma_wait3A_55 = arith.constant 0 : i32
    %dma_wait3A_56 = tpu.memref_slice %arg3[%dma_wait3A_54, %dma_wait3A_55] : memref<100000x128xf32, #tpu.memory_space<hbm>> -> memref<200x128xf32, #tpu.memory_space<hbm>>
    tpu.wait_dma2 semaphore(%arg8 : memref<!tpu.dma_semaphore, #tpu.memory_space<semaphore_mem>>) src(%dma_wait3A_56 : memref<200x128xf32, #tpu.memory_space<hbm>>) dst(%dma_wait3A_53 : memref<200x128xf32, #tpu.memory_space<vmem>>)
    return
  }
}

</mosaic_0001>

<sc_bundles>
// kernel: kernel.3.cloned.1.call-start
scs
__scs_entry_jumppad:
0x0: {  	(pc) =	sbr.rel $0x88, $3  }
0x1: {  	(tag) =	ssettag $0x0;
	lr =	simm.s32 $0x1  }
0x2: {  	[smem:$0x3F9F] =	sst lr;
	_ =	strace $0xD0000000  }
0x3: {  	_ = 	snop  }
0x4: {  	_ = 	snop  }
0x5: {  	_ = 	snop  }
0x6: {  	_ = 	snop  }
0x7: {  	_ = 	snop  }
__scs_overlays_trampoline_lowered:
0x8: {  	[smem:$0x3FAE] =	sst s0  }
0x9: {  	[smem:$0x3FAF] =	sst s1  }
0xa: {  	[smem:$0x3FB0] =	sst s2  }
0xb: {  	[smem:$0x3FB1] =	sst s3  }
0xc: {  	[smem:$0x3FB2] =	sst s4  }
0xd: {  	[smem:$0x3FB3] =	sst s5  }
0xe: {  	[smem:$0x3FB4] =	sst s6  }
0xf: {  	[smem:$0x3FB5] =	sst s7  }
0x10: {  	[smem:$0x3FB6] =	sst s8  }
0x11: {  	[smem:$0x3FB7] =	sst s9;
	s0 =	simm.s32 @!p0 $0x0  }
0x12: {  	s1 =	sld [smem:$0x3F9D];
	s0 =	simm.s32 @p0 $0x1  }
0x13: {  	[smem:$0x3FB8] =	sst s0;
	s0 =	simm.s32 @!p1 $0x0  }
0x14: {  	s2 =	sld [smem:$0x3F9C];
	s0 =	simm.s32 @p1 $0x1  }
0x15: {  	[smem:$0x3FB9] =	sst s0;
	s0 =	simm.s32 @!p2 $0x0  }
0x16: {  	s3 =	sld [smem:$0x3FDB];
	s0 =	simm.s32 @p2 $0x1  }
0x17: {  	s4 =	simm.s32 $0x1BF5;
	[smem:$0x3FBB] =	sst s0  }
0x18: {  	s0 =	sld [smem:$0x3F9E];
	_ =	swait.ge [sflag:s4], $0x0  }
0x19: {  	s7 =	sld [smem:$0x3F9F]  }
0x1a: {  	s8 =	sadd.s32 $0xFFFFE003, lr  }
0x1b: {  	s9 =	sadd.s32 $0xFFFFFEF7, lr;
	s5 =	simm.s32 $0xFFFFFFFF;
	p2 =	slt.u32 s8, $0xFFFFF086  }
0x1c: {  	p1 =	slt.u32 s9, $0xF7A;
	s5 =	simm.s32 @!p2 $0x0  }
0x1d: {  	s5 =	simm.s32 @p1 $0x1;
	p0 =	seq.s32 s7, s2  }
0x1e: {  	s7 =	smul.u32 @!p0 $0xF7A, s2;
	p2 =	seq.s32 @!p0 s5, $0x0  }
0x1f: {  	s9 =	smul.u32 $0xF7A, s1;
	s8 =	simm.s32 @!p0 $0x1BF5;
	p2 =	por !p2, p0  }
0x20: {  	[sflag:s8] =	ssyncset.s32 @!p0 $0xFFFFF086;
	s6 =	sadd.s32 @!p0 s3, s7;
	s7 =	simm.s32 @!p0 $0x108  }
0x21: {  	s3 =	sadd.s32 s3, s9;
	s6 =	sadd.s32 @!p0 $0x88, s6;
	s7 =	simm.s32 @p2 $0x1082  }
0x22: {  	[simem:s7], [sflag:s8] =	dma.local @!p0 [hbm:s6], $0xF7A  }
0x23: {  	s9 =	sor.u32 $0xD0000000, s2;
	s6 =	simm.s32 $0x108;
	_ =	swait.ge @!p0 [sflag:s8], $0x0  }
0x24: {  	s3 =	sadd.s32 $0x88, s3;
	s6 =	simm.s32 @!p1 $0x1082;
	[sflag:s4] =	ssyncset.s32 $0xFFFFF086  }
0x25: {  	[simem:s6], [sflag:s4] =	dma.local [hbm:s3], $0xF7A  }
0x26: {  	[smem:$0x3F9F] =	sst s1;
	(tag) =	ssettag s2;
	_ =	strace s9  }
0x27: {  	s1 =	sld [smem:$0x3FAF]  }
0x28: {  	s2 =	sld [smem:$0x3FB0]  }
0x29: {  	s4 =	sld [smem:$0x3FB2]  }
0x2a: {  	p0 =	seq.s32 s5, $0x0;
	s5 =	sld [smem:$0x3FB3]  }
0x2b: {  	s6 =	sld [smem:$0x3FB4]  }
0x2c: {  	s7 =	sld [smem:$0x3FB5]  }
0x2d: {  	s3 =	simm.s32 $0x108;
	s8 =	sld [smem:$0x3FB6]  }
0x2e: {  	s3 =	simm.s32 @!p0 $0x1082;
	s9 =	sld [smem:$0x3FB7]  }
0x2f: {  	lr =	sadd.s32 s0, s3;
	s0 =	sld [smem:$0x3FAE]  }
0x30: {  	s3 =	sld [smem:$0x3FB1]  }
0x31: {  	[smem:$0x3FBA] =	sst s10  }
0x32: {  	s10 =	sld [smem:$0x3FB8];
	_ =	sdelay $0x3  }
0x33: {  	p0 =	seq.s32 s10, $0x1;
	s10 =	sld [smem:$0x3FBA];
	_ =	sdelay $0x3  }
0x34: {  	[smem:$0x3FBA] =	sst s10  }
0x35: {  	s10 =	sld [smem:$0x3FB9];
	_ =	sdelay $0x3  }
0x36: {  	p1 =	seq.s32 s10, $0x1;
	s10 =	sld [smem:$0x3FBA];
	_ =	sdelay $0x3  }
0x37: {  	[smem:$0x3FBA] =	sst s10  }
0x38: {  	s10 =	sld [smem:$0x3FBB]  }
0x39: {  	_ = 	snop;
	(pc) =	sbr.ind lr, $3  }
0x3a: {  	_ = 	snop  }
0x3b: {  	_ = 	snop  }
0x3c: {  	p2 =	seq.s32 s10, $0x1;
	s10 =	sld [smem:$0x3FBA]  }
0x3d: {  	_ =	shalt  }
0x3e: {  	_ =	shalt  }
0x3f: {  	_ =	shalt  }
0x40: {  	_ =	shalt  }
0x41: {  	_ =	shalt  }
0x42: {  	_ =	shalt  }
0x43: {  	_ =	shalt  }
0x44: {  	_ =	shalt  }
0x45: {  	_ =	shalt  }
0x46: {  	_ =	shalt  }
0x47: {  	_ =	shalt  }
0x48: {  	_ =	shalt  }
0x49: {  	_ =	shalt  }
0x4a: {  	_ =	shalt  }
0x4b: {  	_ =	shalt  }
0x4c: {  	_ =	shalt  }
0x4d: {  	_ =	shalt  }
0x4e: {  	_ =	shalt  }
0x4f: {  	_ =	shalt  }
0x50: {  	_ =	shalt  }
0x51: {  	_ =	shalt  }
0x52: {  	_ =	shalt  }
0x53: {  	_ =	shalt  }
0x54: {  	_ =	shalt  }
0x55: {  	_ =	shalt  }
0x56: {  	_ =	shalt  }
0x57: {  	_ =	shalt  }
0x58: {  	_ =	shalt  }
0x59: {  	_ =	shalt  }
0x5a: {  	_ =	shalt  }
0x5b: {  	_ =	shalt  }
0x5c: {  	_ =	shalt  }
0x5d: {  	_ =	shalt  }
0x5e: {  	_ =	shalt  }
0x5f: {  	_ =	shalt  }
0x60: {  	_ =	shalt  }
0x61: {  	_ =	shalt  }
0x62: {  	_ =	shalt  }
0x63: {  	_ =	shalt  }
0x64: {  	_ =	shalt  }
0x65: {  	_ =	shalt  }
0x66: {  	_ =	shalt  }
0x67: {  	_ =	shalt  }
0x68: {  	_ =	shalt  }
0x69: {  	_ =	shalt  }
0x6a: {  	_ =	shalt  }
0x6b: {  	_ =	shalt  }
0x6c: {  	_ =	shalt  }
0x6d: {  	_ =	shalt  }
0x6e: {  	_ =	shalt  }
0x6f: {  	_ =	shalt  }
0x70: {  	_ =	shalt  }
0x71: {  	_ =	shalt  }
0x72: {  	_ =	shalt  }
0x73: {  	_ =	shalt  }
0x74: {  	_ =	shalt  }
0x75: {  	_ =	shalt  }
0x76: {  	_ =	shalt  }
0x77: {  	_ =	shalt  }
0x78: {  	_ =	shalt  }
0x79: {  	_ =	shalt  }
0x7a: {  	_ =	shalt  }
0x7b: {  	_ =	shalt  }
0x7c: {  	_ =	shalt  }
0x7d: {  	_ =	shalt  }
0x7e: {  	_ =	shalt  }
0x7f: {  	_ =	shalt  }
0x80: {  	_ =	shalt  }
0x81: {  	_ =	shalt  }
0x82: {  	_ =	shalt  }
0x83: {  	_ =	shalt  }
0x84: {  	_ =	shalt  }
0x85: {  	_ =	shalt  }
0x86: {  	_ =	shalt  }
0x87: {  	_ =	shalt  }
.Lfunc_end0:
.L_simem_size_0:
called_computation_lowered:
.L_overlay_start_0:
0x88: {  	s2 =	sld [smem:$0x3FD9]  }
0x89: {  	s3 =	sld [smem:$0x3FFE];
	_ =	sdelay $0x1  }
0x8a: {  	s1 =	srdreg.scid  }
0x8b: {  	s0 =	sand.u32 $0x1, s1  }
0x8c: {  	s17 =	sshll.u32 s0, $0xA;
	s2 =	sadd.s32 s3, s2  }
0x8d: {  	s2 =	sadd.s32 s2, s17  }
0x8e: {  	[smem:$0x3FC6] =	sst s2  }
0x8f: {  	_ = 	snop  }
0x90: {  	s2 =	sld [smem:$0x3FC8]  }
0x91: {  	s18 =	sld [smem:$0x3FD0];
	(tm) =	ssettm $0x1  }
0x92: {  	s4 =	sld [smem:$0x3FFB];
	_ =	sdelay $0x3  }
0x93: {  	_ =	strace s4  }
0x94: {  	s4 =	sld [smem:$0x3FFC];
	_ =	sdelay $0x3  }
0x95: {  	_ =	strace s4  }
0x96: {  	s4 =	sld [smem:$0x3FFD];
	_ =	sdelay $0x3  }
0x97: {  	_ =	strace s4  }
0x98: {  	_ =	strace $0x8FFFFFFF  }
0x99: {  	s19 =	sld [smem:$0x3FDB];
	_ =	sdelay $0x1  }
0x9a: {  	s5 =	simm.s32 $_scs_section_size  }
0x9b: {  	s6 =	simm.s32 $_size__tile_overlayer_lowered;
	s7 =	simm.s32 $_tile_overlayer_lowered  }
0x9c: {  	s22 =	simm.s32 $0x1BFF;
	s21 =	sshll.u32 s7, $0x1;
	s4 =	sadd.s32 s5, s19  }
0x9d: {  	s8 =	simm.s32 $0x0;
	s20 =	sshll.u32 s6, $0x1;
	s6 =	sadd.s32 s21, s4  }
0x9e: {  	[timem:s8], [sflag:s22] =	dma.local [hbm:s6], s20  }
0x9f: {  	_ =	swait.ge [sflag:s22], s20  }
0xa0: {  	s5 =	ssub.s32 $0x0, s20;
	[sflag:s22] =	ssyncset.done $0x0  }
0xa1: {  	[sflag:s22] =	ssyncadd.s32 s5;
	_ =	sdelay $0x1  }
0xa2: {  	s23 =	simm.s32 $0x1B8B  }
0xa3: {  	_ =	swait.ge [sflag:s23], $0x1  }
0xa4: {  	[sflag:s23] =	ssyncset.done $0x0  }
0xa5: {  	s25 =	simm.s32 $0x1B8E;
	s24 =	sld [smem:$0x3FFE];
	[sflag:s23] =	ssyncadd.s32 $0xFFFFFFFF  }
0xa6: {  	s26 =	simm.s32 $execute0_lowered;
	[smem:$0x3FD2] =	sst s25  }
0xa7: {  	s6 =	sshll.u32 s26, $0x1;
	_ =	strace $0x80000046;
	[dreg:$0x1] =	wrdreg $0xFFFFFFFF  }
0xa8: {  	s28 =	simm.s32 $_size_execute0_lowered;
	s4 =	sadd.s32 s4, s6;
	[dreg:$0x0] =	wrdreg $0x0  }
0xa9: {  	s6 =	sshll.u32 s28, $0x1;
	[dreg:$0x2] =	wrdreg s4  }
0xaa: {  	[dreg:$0x3] =	wrdreg s6  }
0xab: {  	[dreg:$0x4] =	wrdreg $0xC0  }
0xac: {  	_ =	task [dreg:s8], $0x5FFFF  }
0xad: {  	[dreg:$0x1] =	wrdreg $0xFFFFFFFF  }
0xae: {  	[dreg:$0x0] =	wrdreg $0x60  }
0xaf: {  	[dreg:$0x2] =	wrdreg s24  }
0xb0: {  	[dreg:$0x3] =	wrdreg s2  }
0xb1: {  	[dreg:$0x4] =	wrdreg s18  }
0xb2: {  	[dreg:$0x5] =	wrdreg $0x9  }
0xb3: {  	_ =	task.clear_ibuf [dreg:s8], $0x6FFFF;
	_ =	strace $0x90000046  }
0xb4: {  	s29 =	simm.s32 $0x9;
	_ =	strace $0x80000048  }
0xb5: {  	_ =	swait.ge [sflag:s29], $0x1  }
0xb6: {  	[sflag:s29] =	ssyncadd.s32 $0xFFFFFFFF  }
0xb7: {  	_ =	strace $0x90000048  }
0xb8: {  	_ =	sfence  }
0xb9: {  	s30 =	sld [smem:$0x0];
	_ =	sdelay $0x2  }
0xba: {  	s31 =	sshll.u32 s1, $0xD;
	s1 =	sshrl.u32 s1, $0x2  }
0xbb: {  	s3 =	sand.u32 $0x4000, s31;
	s1 =	sadd.s32 s1, s30  }
0xbc: {  	s0 =	sor.u32 s3, s0;
	s1 =	sshll.u32 s1, $0x11  }
0xbd: {  	s0 =	sor.u32 s1, s0  }
0xbe: {  	s0 =	sadd.s32 $0x8F2B, s0  }
0xbf: {  	[sflag:s0] =	ssyncadd.remote.s32 $0x1  }
0xc0: {  	_ =	sfence.sel $0xFFFF  }
0xc1: {  	[dreg:$0x0] =	wrdreg $0xFFFFFFFF;
	(pc) =	sbr.abs _section_cstart, $3  }
0xc2: {  	[dreg:$0x1] =	wrdreg $0xFFFFFFFF  }
0xc3: {  	_ =	task.clear_ibuf [dreg:s8], $0x2FFFF;
	_ =	strace $0x9FFFFFFF  }
0xc4: {  	(tm) =	ssettm $0x7FFFFFFF  }
0xc5: {  	_ =	shalt  }
tec
execute0_lowered:
.L_overlay_start_1:
0x0: {  	(tag) =	ssettag $0x1  }
0x1: {  	s4 =	rddreg [dreg:$0x0]  }
0x2: {  	s2 =	rddreg [dreg:$0x1];
	s1 =	srdreg.scid  }
0x3: {  	s0 =	stileid.u32;
	s6 =	rddreg [dreg:$0x2];
	s3 =	simm.s32 $0x0  }
0x4: {  	s12 =	simm.s32 $0xC800;
	s13 =	simm.s32 $0x190;
	s14 =	simm.s32 $0x12C00  }
0x5: {  	s15 =	simm.s32 $0x1;
	s16 =	simm.s32 $0x258;
	s17 =	simm.s32 $0x19000  }
0x6: {  	s18 =	simm.s32 $0x2;
	s19 =	simm.s32 $0x0;
	s5 =	sand.u32 $0x1, s1  }
0x7: {  	s7 =	sshll.u32 s0, $0x1;
	s1 =	rddreg [dreg:$0x3];
	s11 =	smul.u32 $0xC8000, s0  }
0x8: {  	[smem:$0x7FF] =	sst s3;
	s7 =	sor.u32 s5, s7;
	s29 =	smul.u32 $0x64000, s5  }
0x9: {  	_ =	strace $0x80000047;
	s9 =	ssub.s32 $0x2, s5;
	s8 =	smul.u32 $0x6400, s7  }
0xa: {  	s7 =	smul.u32 $0x64000, s7;
	s10 =	sshrl.u32 s9, $0x1;
	s30 =	sadd.s32 s11, s6  }
0xb: {  	s11 =	simm.s32 $0x6400;
	s28 =	ssub.s32 s9, s10;
	s31 =	sadd.s32 s29, s30  }
0xc: {  	s9 =	simm.s32 $0x3;
	s10 =	simm.s32 $0xC8;
	s8 =	sshrl.u32 s8, $0x3  }
0xd: {  	s5 =	sadd.s32 s6, s7;
	s6 =	smax.u32 s28, $0x1;
	s4 =	sadd.s32 s8, s4  }
0xe: {  	s7 =	sadd.s32 $0xC80, s5;
	s8 =	sadd.s32 $0x1900, s31;
	s4 =	sadd.s32 $0x400, s4  }
.LBB2_1:
0xf: {  	[tilespmem:s3], [sflag:$0x3] =	stream.linear.gather [hbm4b:s4+s3], $0x6400, $0x38;
	[tilespmem:$0x1F400] =	vst v63  }
0x10: {  	_ =	swait.ge [sflag:s9], $0x6400  }
0x11: {  	[sflag:s9] =	ssyncset.done $0x0  }
0x12: {  	[sflag:s9] =	ssyncadd.s32 $0xFFFF9C00  }
0x13: {  	[tilespmem:s11], [sflag:$0x1] =	stream.indirect.gather [hbm4b:s2+s10], $0x80, s3, s10, $0xb8;
	[tilespmem:$0x1F400] =	vst v63  }
0x14: {  	_ = 	snop  }
0x15: {  	[tilespmem:s12], [sflag:$0x1] =	stream.indirect.gather [hbm4b:s2+s10], $0x80, s10, s10, $0xb8;
	[tilespmem:$0x1F400] =	vst v63  }
0x16: {  	_ = 	snop  }
0x17: {  	[tilespmem:s14], [sflag:$0x1] =	stream.indirect.gather [hbm4b:s2+s10], $0x80, s13, s10, $0xb8;
	[tilespmem:$0x1F400] =	vst v63  }
0x18: {  	_ =	swait.ge [sflag:s15], $0x6400  }
0x19: {  	[sflag:s15] =	ssyncset.done $0x0  }
0x1a: {  	[sflag:s15] =	ssyncadd.s32 $0xFFFF9C00  }
0x1b: {  	[hbm4b:s5+s3] =	stream.linear.scatter [tilespmem:s11], [sflag:$0x2], $0x6400, $0x38;
	[tilespmem:$0x1F400] =	vst v63  }
0x1c: {  	s20 =	simm.s32 $0x4  }
0x1d: {  	[tilespmem:s17], [sflag:$0x1] =	stream.indirect.gather [hbm4b:s2+s10], $0x80, s16, s10, $0xb8;
	[tilespmem:$0x1F400] =	vst v63  }
0x1e: {  	p0 =	por $0x0, $0x0;
	s21 =	simm.s32 $0x320;
	_ =	swait.ge [sflag:s15], $0x6400  }
0x1f: {  	s22 =	simm.s32 $0x5;
	s20 =	sand.u32 @!p0 $0x3, s20;
	[sflag:s15] =	ssyncset.done $0x0  }
0x20: {  	s24 =	simm.s32 $0x2;
	s20 =	smul.u32 @!p0 $0x19000, s20;
	[sflag:s15] =	ssyncadd.s32 $0xFFFF9C00  }
0x21: {  	[hbm4b:s7+s3] =	stream.linear.scatter [tilespmem:s12], [sflag:$0x2], $0x6400, $0x38;
	[tilespmem:$0x1F400] =	vst v63  }
0x22: {  	s23 =	simm.s32 $0x6;
	s25 =	simm.s32 @!p0 $0xC8;
	_ =	swait.ge [sflag:s18], $0x6400  }
0x23: {  	s24 =	sand.u32 $0x3, s24;
	s20 =	sshrl.u32 @!p0 s20, $0x2;
	[sflag:s18] =	ssyncset.done $0x0  }
0x24: {  	s26 =	smul.u32 $0x19000, s24;
	s20 =	sadd.s32 @!p0 $0x6400, s20;
	[sflag:s18] =	ssyncadd.s32 $0xFFFF9C00  }
0x25: {  	[tilespmem:s20], [sflag:$0x1] =	stream.indirect.gather @!p0 [hbm4b:s2+s25], $0x80, s21, s25, $0xb8;
	[tilespmem:$0x1F400] =	vst v63  }
0x26: {  	s24 =	simm.s32 $0x3;
	s21 =	simm.s32 $0x3E8;
	_ =	swait.ge [sflag:s15], $0x6400  }
0x27: {  	s20 =	sadd.s32 $0xC80, s8;
	s25 =	smov.u32 s8;
	[sflag:s15] =	ssyncset.done $0x0  }
.LBB2_2:
0x28: {  	p1 =	sgt.u32 s24, $0x7D  }
0x29: {  	s26 =	sshrl.u32 s26, $0x2;
	s28 =	smov.u32 s23;
	s23 =	sadd.s32 $0x1, s23  }
0x2a: {  	p0 =	sne.s32 s23, $0x82;
	s22 =	sand.u32 @!p1 $0x3, s22;
	s26 =	sadd.s32 $0x6400, s26  }
0x2b: {  	s29 =	smul.u32 @!p1 $0x19000, s22;
	[sflag:s15] =	ssyncadd.s32 $0xFFFF9C00;
	s22 =	smov.u32 s28  }
0x2c: {  	[hbm4b:s25+s3] =	stream.linear.scatter [tilespmem:s26], [sflag:$0x2], $0x6400, $0x38;
	[tilespmem:$0x1F400] =	vst v63  }
0x2d: {  	s25 =	smov.u32 s20;
	_ =	swait.ge [sflag:s18], $0x6400;
	s26 =	sshrl.u32 @!p1 s29, $0x2  }
.Ltmp0:
0x2e: {  	[sflag:s18] =	ssyncset.done $0x0;
	s26 =	sadd.s32 @!p1 $0x6400, s26;
	(pc) =	sbr.rel @p0 .LBB2_2-.Ltmp0, $4  }
0x2f: {  	s24 =	sand.u32 $0x3, s24;
	s28 =	simm.s32 @!p1 $0xC8;
	[sflag:s18] =	ssyncadd.s32 $0xFFFF9C00  }
0x30: {  	[tilespmem:s26], [sflag:$0x1] =	stream.indirect.gather @!p1 [hbm4b:s2+s28], $0x80, s21, s28, $0xb8;
	[tilespmem:$0x1F400] =	vst v63  }
0x31: {  	s26 =	smul.u32 $0x19000, s24;
	s21 =	sadd.s32 $0xC8, s21;
	_ =	swait.ge [sflag:s15], $0x6400  }
0x32: {  	s20 =	sadd.s32 $0xC80, s20;
	s24 =	sadd.s32 $0xFFFFFFFE, s22;
	[sflag:s15] =	ssyncset.done $0x0  }
0x33: {  	p0 =	sgt.u32 s24, $0x7D  }
0x34: {  	s23 =	sshrl.u32 s26, $0x2;
	s22 =	sand.u32 @!p0 $0x3, s22  }
0x35: {  	[sflag:s15] =	ssyncadd.s32 $0xFFFF9C00;
	s23 =	sadd.s32 $0x6400, s23;
	s22 =	smul.u32 @!p0 $0x19000, s22  }
0x36: {  	[hbm4b:s25+s3] =	stream.linear.scatter [tilespmem:s23], [sflag:$0x2], $0x6400, $0x38;
	[tilespmem:$0x1F400] =	vst v63  }
0x37: {  	s30 =	sand.u32 $0x3, s24;
	_ =	swait.ge [sflag:s18], $0x6400  }
0x38: {  	s31 =	smul.u32 $0x19000, s30;
	s22 =	sshrl.u32 @!p0 s22, $0x2;
	[sflag:s18] =	ssyncset.done $0x0  }
0x39: {  	s23 =	simm.s32 @!p0 $0xC8;
	s22 =	sadd.s32 @!p0 $0x6400, s22;
	[sflag:s18] =	ssyncadd.s32 $0xFFFF9C00  }
0x3a: {  	[tilespmem:s22], [sflag:$0x1] =	stream.indirect.gather @!p0 [hbm4b:s2+s23], $0x80, s21, s23, $0xb8;
	[tilespmem:$0x1F400] =	vst v63  }
0x3b: {  	_ =	swait.ge [sflag:s15], $0x6400  }
0x3c: {  	s21 =	sshrl.u32 s31, $0x2;
	[sflag:s15] =	ssyncset.done $0x0  }
0x3d: {  	s19 =	sadd.s32 $0x1, s19;
	s21 =	sadd.s32 $0x6400, s21;
	[sflag:s15] =	ssyncadd.s32 $0xFFFF9C00  }
0x3e: {  	[hbm4b:s20+s3] =	stream.linear.scatter [tilespmem:s21], [sflag:$0x2], $0x6400, $0x38;
	[tilespmem:$0x1F400] =	vst v63  }
0x3f: {  	p0 =	sne.s32 s19, s6;
	_ =	swait.ge [sflag:s18], $0x6400  }
.Ltmp1:
0x40: {  	[sflag:s18] =	ssyncset.done $0x0;
	(pc) =	sbr.rel @p0 .LBB2_1-.Ltmp1, $4  }
0x41: {  	[sflag:s18] =	ssyncadd.s32 $0xFFFF9C00  }
0x42: {  	_ =	swait.ge [sflag:s18], $0x6400  }
0x43: {  	[sflag:s18] =	ssyncset.done $0x0  }
0x44: {  	[sflag:s18] =	ssyncadd.s32 $0xFFFF9C00  }
0x45: {  	_ =	sfence.sel $0x180000  }
0x46: {  	[bflag:$0x0] =	sbarrier.arrive $0xFFFF  }
0x47: {  	p0 =	sne.s32 s0, $0x0;
	_ =	strace $0x90000047  }
0x48: {  	s0 =	sadd.s32 @!p0 $0x100000, s1;
	[bflag:$0x2] =	sbarrier.arrive $0xFFFF  }
0x49: {  	[sflag:s0] =	ssyncadd.tile.s32 @!p0 $0x1;
	_ =	shalt  }
.Lfunc_end2:
_tile_overlayer_lowered:
.L_overlay_start_2:
0x4a: {  	(tag) =	ssettag $0x2  }
0x4b: {  	s0 =	rddreg [dreg:$0x0];
	s2 =	stileid.u32  }
0x4c: {  	s1 =	rddreg [dreg:$0x1];
	p0 =	sne.s32 s2, $0x0  }
0x4d: {  	s3 =	rddreg [dreg:$0x2];
	[bflag:$0x3] =	sbarrier.arrive $0xFFFF;
	s2 =	simm.s32 @!p0 $0x1C03  }
0x4e: {  	[timem:s3], [sflag:s2] =	dma.local @!p0 [hbm:s0], s1  }
0x4f: {  	s0 =	simm.s32 @!p0 $0x3  }
0x50: {  	_ =	swait.ge @!p0 [sflag:s0], s1  }
0x51: {  	s1 =	ssub.s32 @!p0 $0x0, s1;
	[sflag:s0] =	ssyncset.done @!p0 $0x0  }
0x52: {  	[sflag:s0] =	ssyncadd.s32 @!p0 s1  }
0x53: {  	[bflag:$0x3] =	sbarrier.arrive $0xFFFF  }
0x54: {  	_ =	shalt  }

</sc_bundles>
